<compile_context>
chip_gen: v7x
topology: tpu7x:2x2x1
jax: 0.10.2.dev20260603
libtpu: 0.0.44.dev20260713+nightly
codegen_flags: <defaults>
</compile_context>

<pallas_src>
import functools

import jax
import jax.numpy as jnp
from jax import lax
from jax.experimental import pallas as pl
from jax.experimental.pallas import tpu as pltpu
from jax.experimental.pallas import tpu_sc as plsc

NC = 2
NS = 16
L = 16
K = 80
CAPW = 5360
NB = 2 * CAPW // K
ZR = 16

_SC_PARAMS = pltpu.CompilerParams(needs_layout_passes=False,
                                  use_tc_tiling_on_sc=False)


@functools.partial(jax.jit, static_argnums=(2, 3))
def _part_pass_call(src2, dst2, NPH, halfN):
    NW = NC * NS
    EPW = src2.shape[1]
    mesh = plsc.VectorSubcoreMesh(core_axis_name="c", subcore_axis_name="s")

    @functools.partial(
        pl.kernel,
        out_type=(jax.ShapeDtypeStruct((NC, NW, CAPW), jnp.int32),
                  jax.ShapeDtypeStruct((NC, NW, CAPW), jnp.int32)),
        mesh=mesh,
        compiler_params=_SC_PARAMS,
        scratch_types=[
            pltpu.VMEM((EPW,), jnp.int32),
            pltpu.VMEM((EPW,), jnp.int32),
            pltpu.VMEM((CAPW + L,), jnp.int32),
            pltpu.VMEM((CAPW + L,), jnp.int32),
            pltpu.VMEM((CAPW + L,), jnp.int32),
            pltpu.VMEM((CAPW + L,), jnp.int32),
        ],
    )
    def part_pass(src_hbm, dst_hbm, srcp_hbm, dstp_hbm,
                  ch_s, ch_d, b0s, b0d, b1s, b1d):
        c = lax.axis_index("c")
        s = lax.axis_index("s")
        w = s * NC + c
        PADM = NPH - halfN - L
        SRCM = 2 * halfN - L
        lane = lax.iota(jnp.int32, L)

        def fill(t, _):
            spad = lax.rem(t * L, SRCM) + lane
            dpad = halfN + lax.rem(t * L, PADM) + lane
            b0s[pl.ds(t * L, L)] = spad
            b1s[pl.ds(t * L, L)] = spad
            b0d[pl.ds(t * L, L)] = dpad
            b1d[pl.ds(t * L, L)] = dpad
            return 0

        lax.fori_loop(0, (CAPW + L) // L, fill, 0)
        pltpu.sync_copy(src_hbm.at[w], ch_s)
        pltpu.sync_copy(dst_hbm.at[w], ch_d)

        def step(t, carry):
            cnt0, cnt1 = carry
            sv = ch_s[pl.ds(t * L, L)]
            dv = ch_d[pl.ds(t * L, L)]
            m1 = dv >= halfN
            m0 = jnp.logical_not(m1)
            dl = jnp.where(m1, dv - halfN, dv)
            plsc.store_compressed(b0s.at[pl.ds(cnt0, L)], sv, mask=m0)
            plsc.store_compressed(b0d.at[pl.ds(cnt0, L)], dl, mask=m0)
            plsc.store_compressed(b1s.at[pl.ds(cnt1, L)], sv, mask=m1)
            plsc.store_compressed(b1d.at[pl.ds(cnt1, L)], dl, mask=m1)
            n0 = jnp.sum(m0.astype(jnp.int32))
            return (jnp.minimum(cnt0 + n0, CAPW),
                    jnp.minimum(cnt1 + (L - n0), CAPW))

        lax.fori_loop(0, EPW // L, step,
                      (jnp.int32(0), jnp.int32(0)))
        pltpu.sync_copy(b0s.at[pl.ds(0, CAPW)], srcp_hbm.at[0, w])
        pltpu.sync_copy(b0d.at[pl.ds(0, CAPW)], dstp_hbm.at[0, w])
        pltpu.sync_copy(b1s.at[pl.ds(0, CAPW)], srcp_hbm.at[1, w])
        pltpu.sync_copy(b1d.at[pl.ds(0, CAPW)], dstp_hbm.at[1, w])

    return part_pass(src2, dst2)


@functools.partial(jax.jit, static_argnums=(1,))
def _deg_pass_call(dstl4, NPH):
    DG = L
    RPT = NPH // NS
    NZ = RPT // ZR
    mesh = plsc.VectorSubcoreMesh(core_axis_name="c", subcore_axis_name="s")

    @functools.partial(
        pl.kernel,
        out_type=jax.ShapeDtypeStruct((NC, NPH, DG), jnp.float32),
        mesh=mesh,
        compiler_params=_SC_PARAMS,
        scratch_types=[
            pltpu.VMEM((NB, K), jnp.int32),
            pltpu.VMEM((K, DG), jnp.float32),
            pltpu.VMEM((ZR, DG), jnp.float32),
            pltpu.VMEM_SHARED((NPH, DG), jnp.float32),
        ],
    )
    def deg_pass(dst_hbm, out_hbm, dst_v, obuf, zbuf, d_sh):
        c = lax.axis_index("c")
        s = lax.axis_index("s")
        z16 = jnp.zeros((L,), jnp.float32)
        one0 = jnp.where(lax.iota(jnp.int32, L) == 0, 1.0, 0.0)

        def zrow(r, _):
            zbuf[r, pl.ds(0, L)] = z16
            return 0

        lax.fori_loop(0, ZR, zrow, 0)

        def orow(r, _):
            obuf[r, pl.ds(0, L)] = one0
            return 0

        lax.fori_loop(0, K, orow, 0)

        rbase = s * RPT

        def zslab(i, _):
            pltpu.sync_copy(zbuf, d_sh.at[pl.ds(rbase + i * ZR, ZR)])
            return 0

        lax.fori_loop(0, NZ, zslab, 0)
        pltpu.sync_copy(dst_hbm.at[c, s], dst_v)
        plsc.subcore_barrier()

        def batch(b, _):
            pltpu.sync_copy(obuf, d_sh.at[dst_v.at[b]], add=True)
            return 0

        lax.fori_loop(0, NB, batch, 0)
        plsc.subcore_barrier()

        def cpout(i, _):
            pltpu.sync_copy(d_sh.at[pl.ds(rbase + i * ZR, ZR)], zbuf)
            pltpu.sync_copy(zbuf, out_hbm.at[c, pl.ds(rbase + i * ZR, ZR)])
            return 0

        lax.fori_loop(0, NZ, cpout, 0)

    return deg_pass(dstl4)


@functools.partial(jax.jit, static_argnums=(5, 6))
def _edge_pass_call(cur, s1, s2p, src4, dstl4, NPH, halfN):
    N, D = cur.shape
    DA = D + L
    GD = D // L
    RPT = NPH // NS
    NZ = RPT // ZR
    mesh = plsc.VectorSubcoreMesh(core_axis_name="c", subcore_axis_name="s")

    @functools.partial(
        pl.kernel,
        out_type=jax.ShapeDtypeStruct((NC, NPH, DA), jnp.float32),
        mesh=mesh,
        compiler_params=_SC_PARAMS,
        scratch_types=[
            pltpu.VMEM((NB, K), jnp.int32),
            pltpu.VMEM((NB, K), jnp.int32),
            pltpu.VMEM((N,), jnp.float32),
            pltpu.VMEM((NPH,), jnp.float32),
            pltpu.VMEM((K, D), jnp.float32),
            pltpu.VMEM((K, D), jnp.float32),
            pltpu.VMEM((K, DA), jnp.float32),
            pltpu.VMEM((K, DA), jnp.float32),
            pltpu.VMEM((K,), jnp.float32),
            pltpu.VMEM((K,), jnp.int32),
            pltpu.VMEM((ZR, DA), jnp.float32),
            pltpu.VMEM_SHARED((NPH, DA), jnp.float32),
            pltpu.SemaphoreType.DMA,
            pltpu.SemaphoreType.DMA,
            pltpu.SemaphoreType.DMA,
            pltpu.SemaphoreType.DMA,
        ],
    )
    def edge_pass(cur_hbm, s1_hbm, s2p_hbm, src_hbm, dst_hbm, out_hbm,
                  src_v, dst_v, s1_v, s2_v, rows_a, rows_b, sc_a, sc_b,
                  ex_v, pidx, zbuf, h_sh, gsem_a, gsem_b, ssem_a, ssem_b):
        c = lax.axis_index("c")
        s = lax.axis_index("s")
        z16 = jnp.zeros((L,), jnp.float32)
        m0 = lax.iota(jnp.int32, L) == 0
        rows = (rows_a, rows_b)
        scs = (sc_a, sc_b)
        gsems = (gsem_a, gsem_b)
        ssems = (ssem_a, ssem_b)

        def zrow(r, _):
            for g in range(DA // L):
                zbuf[r, pl.ds(g * L, L)] = z16
            return 0

        lax.fori_loop(0, ZR, zrow, 0)
        lane = lax.iota(jnp.int32, L)
        for t in range(K // L):
            pidx[pl.ds(t * L, L)] = halfN + (t * L) % (NPH - halfN - L) + lane
        rbase = s * RPT

        def zslab(i, _):
            pltpu.sync_copy(zbuf, h_sh.at[pl.ds(rbase + i * ZR, ZR)])
            return 0

        lax.fori_loop(0, NZ, zslab, 0)
        pltpu.sync_copy(src_hbm.at[c, s], src_v)
        pltpu.sync_copy(dst_hbm.at[c, s], dst_v)
        pltpu.sync_copy(s1_hbm, s1_v)
        pltpu.sync_copy(s2p_hbm.at[pl.ds(c * halfN, NPH)], s2_v)
        plsc.subcore_barrier()

        for sl in range(2):
            pltpu.async_copy(scs[sl], h_sh.at[pidx], ssems[sl], add=True)
            pltpu.async_copy(cur_hbm.at[src_v.at[sl]], rows[sl], gsems[sl])

        def pair(i, _):
            for sl in range(2):
                b = 2 * i + sl
                for t in range(K // L):
                    si = src_v[b, pl.ds(t * L, L)]
                    di = dst_v[b, pl.ds(t * L, L)]
                    e = (plsc.load_gather(s1_v, [si])
                         + plsc.load_gather(s2_v, [di]))
                    e = jnp.where(e > 0, e, 0.2 * e)
                    ex_v[pl.ds(t * L, L)] = jnp.exp(e)
                pltpu.make_async_copy(cur_hbm.at[src_v.at[b]], rows[sl],
                                      gsems[sl]).wait()
                pltpu.make_async_copy(scs[sl], h_sh.at[dst_v.at[b]],
                                      ssems[sl]).wait()

                def scale2(j2, _):
                    for u in range(2):
                        j = 2 * j2 + u
                        exj = plsc.load_gather(
                            ex_v, [jnp.broadcast_to(j, (L,))])
                        for g in range(GD):
                            scs[sl][j, pl.ds(g * L, L)] = (
                                rows[sl][j, pl.ds(g * L, L)] * exj)
                        scs[sl][j, pl.ds(D, L)] = jnp.where(m0, exj, z16)
                    return 0

                lax.fori_loop(0, K // 2, scale2, 0)
                pltpu.async_copy(scs[sl], h_sh.at[dst_v.at[b]], ssems[sl],
                                 add=True)
                nxt = jnp.minimum(b + 2, NB - 1)
                pltpu.async_copy(cur_hbm.at[src_v.at[nxt]], rows[sl],
                                 gsems[sl])
            return 0

        lax.fori_loop(0, NB // 2, pair, 0)
        for sl in range(2):
            pltpu.make_async_copy(cur_hbm.at[src_v.at[NB - 1]], rows[sl],
                                  gsems[sl]).wait()
            pltpu.make_async_copy(scs[sl], h_sh.at[pidx], ssems[sl]).wait()
        plsc.subcore_barrier()

        def cpout(i, _):
            pltpu.sync_copy(h_sh.at[pl.ds(rbase + i * ZR, ZR)], zbuf)
            pltpu.sync_copy(zbuf, out_hbm.at[c, pl.ds(rbase + i * ZR, ZR)])
            return 0

        lax.fori_loop(0, NZ, cpout, 0)

    return edge_pass(cur, s1, s2p, src4, dstl4)


def _row_specs(N, D, halfN, BR):
    nb = halfN // BR
    vD = pl.BlockSpec((BR, D), lambda c, i: (c * nb + i, 0))
    v1 = pl.BlockSpec((BR, 1), lambda c, i: (c * nb + i, 0))
    vw = pl.BlockSpec((1, D), lambda c, i: (0, 0))
    vh = pl.BlockSpec((1, BR, D + L), lambda c, i: (c, i, 0))
    return (NC, nb), vD, v1, vw, vh


def _tc_init(x, dega, w1, w2, halfN, BR=1000):
    N, D = x.shape
    grid, vD, v1, vw, _ = _row_specs(N, D, halfN, BR)
    vdg = pl.BlockSpec((1, BR, L), lambda c, i: (c, i, 0))

    def body(x_ref, dg_ref, w1_ref, w2_ref, nrm_ref, s1_ref, s2_ref):
        dg = jnp.maximum(dg_ref[0, :, 0:1], 1.0)
        nrm = lax.rsqrt(dg)
        nrm_ref[...] = nrm
        zn = x_ref[...] * nrm
        s1_ref[...] = jnp.sum(zn * w1_ref[...], axis=1, keepdims=True)
        s2_ref[...] = jnp.sum(zn * w2_ref[...], axis=1, keepdims=True)

    return pl.pallas_call(
        body,
        grid=grid,
        in_specs=[vD, vdg, vw, vw],
        out_specs=[v1, v1, v1],
        out_shape=[jax.ShapeDtypeStruct((N, 1), jnp.float32)] * 3,
    )(x, dega, w1, w2)


def _tc_comb(h_aug, y, nrm, w1, w2, halfN, BR=1000):
    N, D = y.shape
    grid, vD, v1, vw, vh = _row_specs(N, D, halfN, BR)

    def body(h_ref, y_ref, nrm_ref, w1_ref, w2_ref,
             cur_ref, y_o_ref, s1_ref, s2_ref):
        den = h_ref[0, :, D:D + 1]
        den = jnp.where(den > 0, den, 1.0)
        cur = h_ref[0, :, :D] / den
        cur_ref[...] = cur
        y_o_ref[...] = y_ref[...] + cur
        zn = cur * nrm_ref[...]
        s1_ref[...] = jnp.sum(zn * w1_ref[...], axis=1, keepdims=True)
        s2_ref[...] = jnp.sum(zn * w2_ref[...], axis=1, keepdims=True)

    return pl.pallas_call(
        body,
        grid=grid,
        in_specs=[vh, vD, v1, vw, vw],
        out_specs=[vD, vD, v1, v1],
        out_shape=[jax.ShapeDtypeStruct((N, D), jnp.float32),
                   jax.ShapeDtypeStruct((N, D), jnp.float32),
                   jax.ShapeDtypeStruct((N, 1), jnp.float32),
                   jax.ShapeDtypeStruct((N, 1), jnp.float32)],
    )(h_aug, y, nrm, w1, w2)


def _tc_final(h_aug, y, scale, halfN, BR=1000):
    N, D = y.shape
    grid, vD, _, _, vh = _row_specs(N, D, halfN, BR)

    def body(scale_ref, h_ref, y_ref, out_ref):
        den = h_ref[0, :, D:D + 1]
        den = jnp.where(den > 0, den, 1.0)
        cur = h_ref[0, :, :D] / den
        out_ref[...] = (y_ref[...] + cur) * scale_ref[0]

    return pl.pallas_call(
        body,
        grid=grid,
        in_specs=[pl.BlockSpec(memory_space=pltpu.SMEM), vh, vD],
        out_specs=vD,
        out_shape=jax.ShapeDtypeStruct((N, D), jnp.float32),
    )(scale, h_aug, y)


def kernel(x, edge_index, order, W_att):
    N, D = x.shape
    E = edge_index.shape[1]
    halfN = N // 2
    NW = NC * NS
    NPH = ((halfN + 1 + NS * ZR - 1) // (NS * ZR)) * (NS * ZR)

    src2 = edge_index[0].reshape(NW, E // NW)
    dst2 = edge_index[1].reshape(NW, E // NW)
    srcP, dstlP = _part_pass_call(src2, dst2, NPH, halfN)
    src4 = srcP.reshape(NC, NS, NB, K)
    dstl4 = dstlP.reshape(NC, NS, NB, K)
    s2pad_extra = NC * NPH - N

    w1 = W_att[:, :D]
    w2 = W_att[:, D:]

    dega = _deg_pass_call(dstl4, NPH)
    nrm, s1, s2 = _tc_init(x, dega, w1, w2, halfN)

    cur = x
    y = x
    for it in range(4):
        s2p = jnp.concatenate([s2.reshape(N),
                               jnp.zeros((s2pad_extra,), jnp.float32)])
        h_aug = _edge_pass_call(cur, s1.reshape(N), s2p, src4, dstl4,
                                NPH, halfN)
        if it < 3:
            cur, y, s1, s2 = _tc_comb(h_aug, y, nrm, w1, w2, halfN)
        else:
            scale = jnp.reshape(1.0 / (jnp.asarray(order, jnp.float32) + 1.0),
                                (1,))
            out = _tc_final(h_aug, y, scale, halfN)
    return out

# --- scband reference (transcript-rebuilt; emitter-appended) ---
"""Pipeline reference for scband-grand-82772609728556 (READ-ONLY COPY).

The authoritative reference and input builder live on the scoring server;
editing this copy changes nothing except your own understanding.
"""

import jax, jax.numpy as jnp
import numpy as np

N = 10000
E = 320000
D = 128


def setup_inputs(seed: int = 0) -> dict:
    key = jax.random.key(seed)
    k1, k2, k3 = jax.random.split(key, 3)
    x = jax.random.normal(k1, (N, D), dtype=jnp.float32)
    edge_index = jax.random.randint(k2, (2, E), 0, N, dtype=jnp.int32)
    # atten_fc: nn.Linear(2*in_dim, 1, bias=False) -> weight shape [1, 2*D]
    W_att = (jax.random.normal(k3, (1, 2 * D), dtype=jnp.float32) * 0.05)
    return {"x": x, "edge_index": edge_index, "order": 4, "W_att": W_att}


def _leaky_relu(v, slope=0.2):
    return jnp.where(v > 0, v, slope * v)


def reference(x, edge_index, order, W_att):
    n = x.shape[0]
    src = edge_index[0]
    dst = edge_index[1]
    # symmetric norm from in-degrees (clamped to min 1)
    degs = jax.ops.segment_sum(jnp.ones_like(dst, dtype=jnp.float32), dst, num_segments=n)
    degs = jnp.clip(degs, 1.0, None)
    norm = (degs ** -0.5)[:, None]  # [n, 1]
    y = x
    cur = x
    _ORDER = 4
    for _ in range(_ORDER):
        zn = cur * norm
        # edge attention: e = LeakyReLU(atten_fc([z_src*norm_src, z_dst*norm_dst]))
        zcat = jnp.concatenate([zn[src], zn[dst]], axis=1)  # [E, 2D]
        e = zcat @ W_att.T  # [E, 1]
        e = _leaky_relu(e, 0.2)
        # softmax over incoming edges per destination node
        m = jax.ops.segment_max(e, dst, num_segments=n)
        m = jnp.where(jnp.isfinite(m), m, 0.0)
        ex = jnp.exp(e - m[dst])
        denom = jax.ops.segment_sum(ex, dst, num_segments=n)
        alpha = ex / denom[dst]
        # weighted message aggregation: h = sum(alpha * z_src)
        h = jax.ops.segment_sum(alpha * cur[src], dst, num_segments=n)
        cur = h
        y = y + cur
    return y / (order + 1)

if __name__ == "__main__":
    import jax
    _d = setup_inputs()
    print(jax.jit(kernel)(*tuple(_d.values())))

</pallas_src>

<mosaic_0001>
#map = affine_map<(d0, d1) -> (0, 0)>
#map1 = affine_map<(d0, d1) -> (0, 0, 0)>
module attributes {stable_mosaic.version = 14 : i64} {
  func.func @part_pass(%arg0: i32, %arg1: i32, %arg2: memref<32x10000xi32, #tpu.memory_space<hbm>>, %arg3: memref<32x10000xi32, #tpu.memory_space<hbm>>, %arg4: memref<2x32x5360xi32, #tpu.memory_space<hbm>>, %arg5: memref<2x32x5360xi32, #tpu.memory_space<hbm>>, %arg6: memref<10000xi32, #tpu.memory_space<vmem>>, %arg7: memref<10000xi32, #tpu.memory_space<vmem>>, %arg8: memref<5376xi32, #tpu.memory_space<vmem>>, %arg9: memref<5376xi32, #tpu.memory_space<vmem>>, %arg10: memref<5376xi32, #tpu.memory_space<vmem>>, %arg11: memref<5376xi32, #tpu.memory_space<vmem>>) attributes {dimension_semantics = [#tpu.dimension_semantics<core_parallel>, #tpu.dimension_semantics<subcore_parallel>], iteration_bounds = array<i64: 2, 16>, scalar_prefetch = 0 : i64, scratch_operands = 6 : i64, tpu.core_type = #tpu.core_type<sc_vector_subcore>, window_params = [{transform_indices = #map}, {transform_indices = #map}, {transform_indices = #map1}, {transform_indices = #map1}]} {
    %mul3A = arith.constant 2 : i32
    %mul3A_0 = arith.muli %arg1, %mul3A : i32
    %add3A = arith.addi %mul3A_0, %arg0 : i32
    %iota3A = tpu.iota {dimensions = array<i32: 0>} : vector<16xi32>
    %scan3A = arith.constant 0 : i32
    %scan3A_1 = arith.constant 0 : i32
    %scan3A_2 = arith.constant 336 : i32
    %scan3A_3 = arith.addi %scan3A_1, %scan3A_2 : i32
    %scan3A_4 = arith.constant 1 : i32
    %scan3A_5 = scf.for %scan3A_18 = %scan3A_1 to %scan3A_3 step %scan3A_4 iter_args(%scan3A_19 = %scan3A) -> (i32)  : i32 {
      %mul3A_20 = arith.constant 16 : i32
      %mul3A_21 = arith.muli %scan3A_18, %mul3A_20 : i32
      %rem3A = arith.constant 9984 : i32
      %rem3A_22 = arith.remsi %mul3A_21, %rem3A : i32
      %add3A_23 = vector.broadcast %rem3A_22 : i32 to vector<16xi32>
      %add3A_24 = arith.addi %add3A_23, %iota3A : vector<16xi32>
      %mul3A_25 = arith.constant 16 : i32
      %mul3A_26 = arith.muli %scan3A_18, %mul3A_25 : i32
      %rem3A_27 = arith.constant 104 : i32
      %rem3A_28 = arith.remsi %mul3A_26, %rem3A_27 : i32
      %add3A_29 = arith.constant 5000 : i32
      %add3A_30 = arith.addi %add3A_29, %rem3A_28 : i32
      %add3A_31 = vector.broadcast %add3A_30 : i32 to vector<16xi32>
      %add3A_32 = arith.addi %add3A_31, %iota3A : vector<16xi32>
      %mul3A_33 = arith.constant 16 : i32
      %mul3A_34 = arith.muli %scan3A_18, %mul3A_33 : i32
      %swap3A = arith.index_cast %mul3A_34 : i32 to index
      %swap3A_35 = tpu.vector_load %arg8[%swap3A] {strides = array<i32>} : memref<5376xi32, #tpu.memory_space<vmem>>, vector<16xi32>,
      tpu.vector_store %arg8[%swap3A], %add3A_24 {strides = array<i32>} : memref<5376xi32, #tpu.memory_space<vmem>>, vector<16xi32>,
      %mul3A_36 = arith.constant 16 : i32
      %mul3A_37 = arith.muli %scan3A_18, %mul3A_36 : i32
      %swap3A_38 = arith.index_cast %mul3A_37 : i32 to index
      %swap3A_39 = tpu.vector_load %arg10[%swap3A_38] {strides = array<i32>} : memref<5376xi32, #tpu.memory_space<vmem>>, vector<16xi32>,
      tpu.vector_store %arg10[%swap3A_38], %add3A_24 {strides = array<i32>} : memref<5376xi32, #tpu.memory_space<vmem>>, vector<16xi32>,
      %mul3A_40 = arith.constant 16 : i32
      %mul3A_41 = arith.muli %scan3A_18, %mul3A_40 : i32
      %swap3A_42 = arith.index_cast %mul3A_41 : i32 to index
      %swap3A_43 = tpu.vector_load %arg9[%swap3A_42] {strides = array<i32>} : memref<5376xi32, #tpu.memory_space<vmem>>, vector<16xi32>,
      tpu.vector_store %arg9[%swap3A_42], %add3A_32 {strides = array<i32>} : memref<5376xi32, #tpu.memory_space<vmem>>, vector<16xi32>,
      %mul3A_44 = arith.constant 16 : i32
      %mul3A_45 = arith.muli %scan3A_18, %mul3A_44 : i32
      %swap3A_46 = arith.index_cast %mul3A_45 : i32 to index
      %swap3A_47 = tpu.vector_load %arg11[%swap3A_46] {strides = array<i32>} : memref<5376xi32, #tpu.memory_space<vmem>>, vector<16xi32>,
      tpu.vector_store %arg11[%swap3A_46], %add3A_32 {strides = array<i32>} : memref<5376xi32, #tpu.memory_space<vmem>>, vector<16xi32>,
      %scan3A_48 = arith.constant 0 : i32
      scf.yield %scan3A_48 : i32
    }
    %scan3A_6 = arith.constant 336 : i32
    "tpu.region"() ({
      %run_scoped3A_18 = tpu.sem_alloc : memref<!tpu.dma_semaphore, #tpu.memory_space<semaphore_mem>>
      %dma_start3A = arith.constant 0 : i32
      %dma_start3A_19 = tpu.memref_slice %arg2[%add3A, %dma_start3A] : memref<32x10000xi32, #tpu.memory_space<hbm>> -> memref<1x10000xi32, #tpu.memory_space<hbm>>
      %dma_start3A_20 = tpu.memref_squeeze %dma_start3A_19 : memref<1x10000xi32, #tpu.memory_space<hbm>> -> memref<10000xi32, #tpu.memory_space<hbm>>
      %dma_start3A_21 = arith.constant 0 : i32
      %dma_start3A_22 = tpu.memref_slice %arg2[%add3A, %dma_start3A_21] : memref<32x10000xi32, #tpu.memory_space<hbm>> -> memref<1x10000xi32, #tpu.memory_space<hbm>>
      %dma_start3A_23 = tpu.memref_squeeze %dma_start3A_22 : memref<1x10000xi32, #tpu.memory_space<hbm>> -> memref<10000xi32, #tpu.memory_space<hbm>>
      tpu.enqueue_dma source(%dma_start3A_23 : memref<10000xi32, #tpu.memory_space<hbm>>) target(%arg6 : memref<10000xi32, #tpu.memory_space<vmem>>) target_semaphore(%run_scoped3A_18 : memref<!tpu.dma_semaphore, #tpu.memory_space<semaphore_mem>>)
      %dma_wait3A = arith.constant 0 : i32
      %dma_wait3A_24 = tpu.memref_slice %arg2[%add3A, %dma_wait3A] : memref<32x10000xi32, #tpu.memory_space<hbm>> -> memref<1x10000xi32, #tpu.memory_space<hbm>>
      %dma_wait3A_25 = tpu.memref_squeeze %dma_wait3A_24 : memref<1x10000xi32, #tpu.memory_space<hbm>> -> memref<10000xi32, #tpu.memory_space<hbm>>
      %dma_wait3A_26 = arith.constant 0 : i32
      %dma_wait3A_27 = tpu.memref_slice %arg2[%add3A, %dma_wait3A_26] : memref<32x10000xi32, #tpu.memory_space<hbm>> -> memref<1x10000xi32, #tpu.memory_space<hbm>>
      %dma_wait3A_28 = tpu.memref_squeeze %dma_wait3A_27 : memref<1x10000xi32, #tpu.memory_space<hbm>> -> memref<10000xi32, #tpu.memory_space<hbm>>
      tpu.wait_dma2 semaphore(%run_scoped3A_18 : memref<!tpu.dma_semaphore, #tpu.memory_space<semaphore_mem>>) src(%dma_wait3A_28 : memref<10000xi32, #tpu.memory_space<hbm>>) dst(%arg6 : memref<10000xi32, #tpu.memory_space<vmem>>)
      tpu.yield
    }) : () -> ()
    "tpu.region"() ({
      %run_scoped3A_18 = tpu.sem_alloc : memref<!tpu.dma_semaphore, #tpu.memory_space<semaphore_mem>>
      %dma_start3A = arith.constant 0 : i32
      %dma_start3A_19 = tpu.memref_slice %arg3[%add3A, %dma_start3A] : memref<32x10000xi32, #tpu.memory_space<hbm>> -> memref<1x10000xi32, #tpu.memory_space<hbm>>
      %dma_start3A_20 = tpu.memref_squeeze %dma_start3A_19 : memref<1x10000xi32, #tpu.memory_space<hbm>> -> memref<10000xi32, #tpu.memory_space<hbm>>
      %dma_start3A_21 = arith.constant 0 : i32
      %dma_start3A_22 = tpu.memref_slice %arg3[%add3A, %dma_start3A_21] : memref<32x10000xi32, #tpu.memory_space<hbm>> -> memref<1x10000xi32, #tpu.memory_space<hbm>>
      %dma_start3A_23 = tpu.memref_squeeze %dma_start3A_22 : memref<1x10000xi32, #tpu.memory_space<hbm>> -> memref<10000xi32, #tpu.memory_space<hbm>>
      tpu.enqueue_dma source(%dma_start3A_23 : memref<10000xi32, #tpu.memory_space<hbm>>) target(%arg7 : memref<10000xi32, #tpu.memory_space<vmem>>) target_semaphore(%run_scoped3A_18 : memref<!tpu.dma_semaphore, #tpu.memory_space<semaphore_mem>>)
      %dma_wait3A = arith.constant 0 : i32
      %dma_wait3A_24 = tpu.memref_slice %arg3[%add3A, %dma_wait3A] : memref<32x10000xi32, #tpu.memory_space<hbm>> -> memref<1x10000xi32, #tpu.memory_space<hbm>>
      %dma_wait3A_25 = tpu.memref_squeeze %dma_wait3A_24 : memref<1x10000xi32, #tpu.memory_space<hbm>> -> memref<10000xi32, #tpu.memory_space<hbm>>
      %dma_wait3A_26 = arith.constant 0 : i32
      %dma_wait3A_27 = tpu.memref_slice %arg3[%add3A, %dma_wait3A_26] : memref<32x10000xi32, #tpu.memory_space<hbm>> -> memref<1x10000xi32, #tpu.memory_space<hbm>>
      %dma_wait3A_28 = tpu.memref_squeeze %dma_wait3A_27 : memref<1x10000xi32, #tpu.memory_space<hbm>> -> memref<10000xi32, #tpu.memory_space<hbm>>
      tpu.wait_dma2 semaphore(%run_scoped3A_18 : memref<!tpu.dma_semaphore, #tpu.memory_space<semaphore_mem>>) src(%dma_wait3A_28 : memref<10000xi32, #tpu.memory_space<hbm>>) dst(%arg7 : memref<10000xi32, #tpu.memory_space<vmem>>)
      tpu.yield
    }) : () -> ()
    %scan3A_7 = arith.constant 0 : i32
    %scan3A_8 = arith.constant 0 : i32
    %scan3A_9 = arith.constant 0 : i32
    %scan3A_10 = arith.constant 625 : i32
    %scan3A_11 = arith.addi %scan3A_9, %scan3A_10 : i32
    %scan3A_12 = arith.constant 1 : i32
    %scan3A_13:2 = scf.for %scan3A_18 = %scan3A_9 to %scan3A_11 step %scan3A_12 iter_args(%scan3A_19 = %scan3A_7, %scan3A_20 = %scan3A_8) -> (i32, i32)  : i32 {
      %mul3A_21 = arith.constant 16 : i32
      %mul3A_22 = arith.muli %scan3A_18, %mul3A_21 : i32
      %get3A = arith.index_cast %mul3A_22 : i32 to index
      %get3A_23 = tpu.vector_load %arg6[%get3A] {strides = array<i32>} : memref<10000xi32, #tpu.memory_space<vmem>>, vector<16xi32>,
      %mul3A_24 = arith.constant 16 : i32
      %mul3A_25 = arith.muli %scan3A_18, %mul3A_24 : i32
      %get3A_26 = arith.index_cast %mul3A_25 : i32 to index
      %get3A_27 = tpu.vector_load %arg7[%get3A_26] {strides = array<i32>} : memref<10000xi32, #tpu.memory_space<vmem>>, vector<16xi32>,
      %ge3A = arith.constant 5000 : i32
      %ge3A_28 = vector.broadcast %ge3A : i32 to vector<16xi32>
      %ge3A_29 = arith.cmpi sge, %get3A_27, %ge3A_28 : vector<16xi32>
      %not3A = arith.constant dense<true> : vector<16xi1>
      %not3A_30 = arith.xori %ge3A_29, %not3A : vector<16xi1>
      %sub3A = arith.constant 5000 : i32
      %sub3A_31 = vector.broadcast %sub3A : i32 to vector<16xi32>
      %sub3A_32 = arith.subi %get3A_27, %sub3A_31 : vector<16xi32>
      %select_n3A = arith.select %ge3A_29, %sub3A_32, %get3A_27 : vector<16xi1>, vector<16xi32>
      %swap3A = arith.index_cast %scan3A_19 : i32 to index
      %swap3A_33 = tpu.vector_load %arg8[%swap3A] masked %not3A_30 {strides = array<i32>} : memref<5376xi32, #tpu.memory_space<vmem>>, vector<16xi32>, vector<16xi1>
      tpu.vector_store %arg8[%swap3A], %get3A_23 masked %not3A_30 {strides = array<i32>} : memref<5376xi32, #tpu.memory_space<vmem>>, vector<16xi32>, vector<16xi1>
      %swap3A_34 = arith.index_cast %scan3A_19 : i32 to index
      %swap3A_35 = tpu.vector_load %arg9[%swap3A_34] masked %not3A_30 {strides = array<i32>} : memref<5376xi32, #tpu.memory_space<vmem>>, vector<16xi32>, vector<16xi1>
      tpu.vector_store %arg9[%swap3A_34], %select_n3A masked %not3A_30 {strides = array<i32>} : memref<5376xi32, #tpu.memory_space<vmem>>, vector<16xi32>, vector<16xi1>
      %swap3A_36 = arith.index_cast %scan3A_20 : i32 to index
      %swap3A_37 = tpu.vector_load %arg10[%swap3A_36] masked %ge3A_29 {strides = array<i32>} : memref<5376xi32, #tpu.memory_space<vmem>>, vector<16xi32>, vector<16xi1>
      tpu.vector_store %arg10[%swap3A_36], %get3A_23 masked %ge3A_29 {strides = array<i32>} : memref<5376xi32, #tpu.memory_space<vmem>>, vector<16xi32>, vector<16xi1>
      %swap3A_38 = arith.index_cast %scan3A_20 : i32 to index
      %swap3A_39 = tpu.vector_load %arg11[%swap3A_38] masked %ge3A_29 {strides = array<i32>} : memref<5376xi32, #tpu.memory_space<vmem>>, vector<16xi32>, vector<16xi1>
      tpu.vector_store %arg11[%swap3A_38], %select_n3A masked %ge3A_29 {strides = array<i32>} : memref<5376xi32, #tpu.memory_space<vmem>>, vector<16xi32>, vector<16xi1>
      %convert_element_type3A = arith.extui %not3A_30 : vector<16xi1> to vector<16xi32>
      %reduce_sum3A = arith.constant true
      %reduce_sum3A_40 = vector.broadcast %reduce_sum3A : i1 to vector<16xi1>
      %reduce_sum3A_41 = tpu.scan <sum>, %convert_element_type3A masked %reduce_sum3A_40 : vector<16xi32>, vector<16xi1> -> vector<16xi32>
      %reduce_sum3A_42 = vector.extract %reduce_sum3A_41[15] : i32 from vector<16xi32>
      %add3A_43 = arith.addi %scan3A_19, %reduce_sum3A_42 : i32
      %min3A = arith.constant 5360 : i32
      %min3A_44 = arith.minsi %add3A_43, %min3A : i32
      %sub3A_45 = arith.constant 16 : i32
      %sub3A_46 = arith.subi %sub3A_45, %reduce_sum3A_42 : i32
      %add3A_47 = arith.addi %scan3A_20, %sub3A_46 : i32
      %min3A_48 = arith.constant 5360 : i32
      %min3A_49 = arith.minsi %add3A_47, %min3A_48 : i32
      scf.yield %min3A_44, %min3A_49 : i32, i32
    }
    %scan3A_14 = arith.constant 625 : i32
    %run_scoped3A = arith.constant 0 : i32
    "tpu.region"() ({
      %run_scoped3A_18 = tpu.sem_alloc : memref<!tpu.dma_semaphore, #tpu.memory_space<semaphore_mem>>
      %dma_start3A = arith.constant 0 : i32
      %dma_start3A_19 = tpu.memref_slice %arg8[%dma_start3A] : memref<5376xi32, #tpu.memory_space<vmem>> -> memref<5360xi32, #tpu.memory_space<vmem>>
      %dma_start3A_20 = arith.constant 0 : i32
      %dma_start3A_21 = tpu.memref_slice %arg4[%run_scoped3A, %add3A, %dma_start3A_20] : memref<2x32x5360xi32, #tpu.memory_space<hbm>> -> memref<1x1x5360xi32, #tpu.memory_space<hbm>>
      %dma_start3A_22 = tpu.memref_squeeze %dma_start3A_21 : memref<1x1x5360xi32, #tpu.memory_space<hbm>> -> memref<5360xi32, #tpu.memory_space<hbm>>
      %dma_start3A_23 = arith.constant 0 : i32
      %dma_start3A_24 = tpu.memref_slice %arg4[%run_scoped3A, %add3A, %dma_start3A_23] : memref<2x32x5360xi32, #tpu.memory_space<hbm>> -> memref<1x1x5360xi32, #tpu.memory_space<hbm>>
      %dma_start3A_25 = tpu.memref_squeeze %dma_start3A_24 : memref<1x1x5360xi32, #tpu.memory_space<hbm>> -> memref<5360xi32, #tpu.memory_space<hbm>>
      %dma_start3A_26 = arith.constant 0 : i32
      %dma_start3A_27 = tpu.memref_slice %arg8[%dma_start3A_26] : memref<5376xi32, #tpu.memory_space<vmem>> -> memref<5360xi32, #tpu.memory_space<vmem>>
      tpu.enqueue_dma source(%dma_start3A_27 : memref<5360xi32, #tpu.memory_space<vmem>>) target(%dma_start3A_25 : memref<5360xi32, #tpu.memory_space<hbm>>) target_semaphore(%run_scoped3A_18 : memref<!tpu.dma_semaphore, #tpu.memory_space<semaphore_mem>>)
      %dma_wait3A = arith.constant 0 : i32
      %dma_wait3A_28 = tpu.memref_slice %arg8[%dma_wait3A] : memref<5376xi32, #tpu.memory_space<vmem>> -> memref<5360xi32, #tpu.memory_space<vmem>>
      %dma_wait3A_29 = arith.constant 0 : i32
      %dma_wait3A_30 = tpu.memref_slice %arg4[%run_scoped3A, %add3A, %dma_wait3A_29] : memref<2x32x5360xi32, #tpu.memory_space<hbm>> -> memref<1x1x5360xi32, #tpu.memory_space<hbm>>
      %dma_wait3A_31 = tpu.memref_squeeze %dma_wait3A_30 : memref<1x1x5360xi32, #tpu.memory_space<hbm>> -> memref<5360xi32, #tpu.memory_space<hbm>>
      %dma_wait3A_32 = arith.constant 0 : i32
      %dma_wait3A_33 = tpu.memref_slice %arg4[%run_scoped3A, %add3A, %dma_wait3A_32] : memref<2x32x5360xi32, #tpu.memory_space<hbm>> -> memref<1x1x5360xi32, #tpu.memory_space<hbm>>
      %dma_wait3A_34 = tpu.memref_squeeze %dma_wait3A_33 : memref<1x1x5360xi32, #tpu.memory_space<hbm>> -> memref<5360xi32, #tpu.memory_space<hbm>>
      %dma_wait3A_35 = arith.constant 0 : i32
      %dma_wait3A_36 = tpu.memref_slice %arg8[%dma_wait3A_35] : memref<5376xi32, #tpu.memory_space<vmem>> -> memref<5360xi32, #tpu.memory_space<vmem>>
      tpu.wait_dma2 semaphore(%run_scoped3A_18 : memref<!tpu.dma_semaphore, #tpu.memory_space<semaphore_mem>>) src(%dma_wait3A_36 : memref<5360xi32, #tpu.memory_space<vmem>>) dst(%dma_wait3A_34 : memref<5360xi32, #tpu.memory_space<hbm>>)
      tpu.yield
    }) : () -> ()
    %run_scoped3A_15 = arith.constant 0 : i32
    "tpu.region"() ({
      %run_scoped3A_18 = tpu.sem_alloc : memref<!tpu.dma_semaphore, #tpu.memory_space<semaphore_mem>>
      %dma_start3A = arith.constant 0 : i32
      %dma_start3A_19 = tpu.memref_slice %arg9[%dma_start3A] : memref<5376xi32, #tpu.memory_space<vmem>> -> memref<5360xi32, #tpu.memory_space<vmem>>
      %dma_start3A_20 = arith.constant 0 : i32
      %dma_start3A_21 = tpu.memref_slice %arg5[%run_scoped3A_15, %add3A, %dma_start3A_20] : memref<2x32x5360xi32, #tpu.memory_space<hbm>> -> memref<1x1x5360xi32, #tpu.memory_space<hbm>>
      %dma_start3A_22 = tpu.memref_squeeze %dma_start3A_21 : memref<1x1x5360xi32, #tpu.memory_space<hbm>> -> memref<5360xi32, #tpu.memory_space<hbm>>
      %dma_start3A_23 = arith.constant 0 : i32
      %dma_start3A_24 = tpu.memref_slice %arg5[%run_scoped3A_15, %add3A, %dma_start3A_23] : memref<2x32x5360xi32, #tpu.memory_space<hbm>> -> memref<1x1x5360xi32, #tpu.memory_space<hbm>>
      %dma_start3A_25 = tpu.memref_squeeze %dma_start3A_24 : memref<1x1x5360xi32, #tpu.memory_space<hbm>> -> memref<5360xi32, #tpu.memory_space<hbm>>
      %dma_start3A_26 = arith.constant 0 : i32
      %dma_start3A_27 = tpu.memref_slice %arg9[%dma_start3A_26] : memref<5376xi32, #tpu.memory_space<vmem>> -> memref<5360xi32, #tpu.memory_space<vmem>>
      tpu.enqueue_dma source(%dma_start3A_27 : memref<5360xi32, #tpu.memory_space<vmem>>) target(%dma_start3A_25 : memref<5360xi32, #tpu.memory_space<hbm>>) target_semaphore(%run_scoped3A_18 : memref<!tpu.dma_semaphore, #tpu.memory_space<semaphore_mem>>)
      %dma_wait3A = arith.constant 0 : i32
      %dma_wait3A_28 = tpu.memref_slice %arg9[%dma_wait3A] : memref<5376xi32, #tpu.memory_space<vmem>> -> memref<5360xi32, #tpu.memory_space<vmem>>
      %dma_wait3A_29 = arith.constant 0 : i32
      %dma_wait3A_30 = tpu.memref_slice %arg5[%run_scoped3A_15, %add3A, %dma_wait3A_29] : memref<2x32x5360xi32, #tpu.memory_space<hbm>> -> memref<1x1x5360xi32, #tpu.memory_space<hbm>>
      %dma_wait3A_31 = tpu.memref_squeeze %dma_wait3A_30 : memref<1x1x5360xi32, #tpu.memory_space<hbm>> -> memref<5360xi32, #tpu.memory_space<hbm>>
      %dma_wait3A_32 = arith.constant 0 : i32
      %dma_wait3A_33 = tpu.memref_slice %arg5[%run_scoped3A_15, %add3A, %dma_wait3A_32] : memref<2x32x5360xi32, #tpu.memory_space<hbm>> -> memref<1x1x5360xi32, #tpu.memory_space<hbm>>
      %dma_wait3A_34 = tpu.memref_squeeze %dma_wait3A_33 : memref<1x1x5360xi32, #tpu.memory_space<hbm>> -> memref<5360xi32, #tpu.memory_space<hbm>>
      %dma_wait3A_35 = arith.constant 0 : i32
      %dma_wait3A_36 = tpu.memref_slice %arg9[%dma_wait3A_35] : memref<5376xi32, #tpu.memory_space<vmem>> -> memref<5360xi32, #tpu.memory_space<vmem>>
      tpu.wait_dma2 semaphore(%run_scoped3A_18 : memref<!tpu.dma_semaphore, #tpu.memory_space<semaphore_mem>>) src(%dma_wait3A_36 : memref<5360xi32, #tpu.memory_space<vmem>>) dst(%dma_wait3A_34 : memref<5360xi32, #tpu.memory_space<hbm>>)
      tpu.yield
    }) : () -> ()
    %run_scoped3A_16 = arith.constant 1 : i32
    "tpu.region"() ({
      %run_scoped3A_18 = tpu.sem_alloc : memref<!tpu.dma_semaphore, #tpu.memory_space<semaphore_mem>>
      %dma_start3A = arith.constant 0 : i32
      %dma_start3A_19 = tpu.memref_slice %arg10[%dma_start3A] : memref<5376xi32, #tpu.memory_space<vmem>> -> memref<5360xi32, #tpu.memory_space<vmem>>
      %dma_start3A_20 = arith.constant 0 : i32
      %dma_start3A_21 = tpu.memref_slice %arg4[%run_scoped3A_16, %add3A, %dma_start3A_20] : memref<2x32x5360xi32, #tpu.memory_space<hbm>> -> memref<1x1x5360xi32, #tpu.memory_space<hbm>>
      %dma_start3A_22 = tpu.memref_squeeze %dma_start3A_21 : memref<1x1x5360xi32, #tpu.memory_space<hbm>> -> memref<5360xi32, #tpu.memory_space<hbm>>
      %dma_start3A_23 = arith.constant 0 : i32
      %dma_start3A_24 = tpu.memref_slice %arg4[%run_scoped3A_16, %add3A, %dma_start3A_23] : memref<2x32x5360xi32, #tpu.memory_space<hbm>> -> memref<1x1x5360xi32, #tpu.memory_space<hbm>>
      %dma_start3A_25 = tpu.memref_squeeze %dma_start3A_24 : memref<1x1x5360xi32, #tpu.memory_space<hbm>> -> memref<5360xi32, #tpu.memory_space<hbm>>
      %dma_start3A_26 = arith.constant 0 : i32
      %dma_start3A_27 = tpu.memref_slice %arg10[%dma_start3A_26] : memref<5376xi32, #tpu.memory_space<vmem>> -> memref<5360xi32, #tpu.memory_space<vmem>>
      tpu.enqueue_dma source(%dma_start3A_27 : memref<5360xi32, #tpu.memory_space<vmem>>) target(%dma_start3A_25 : memref<5360xi32, #tpu.memory_space<hbm>>) target_semaphore(%run_scoped3A_18 : memref<!tpu.dma_semaphore, #tpu.memory_space<semaphore_mem>>)
      %dma_wait3A = arith.constant 0 : i32
      %dma_wait3A_28 = tpu.memref_slice %arg10[%dma_wait3A] : memref<5376xi32, #tpu.memory_space<vmem>> -> memref<5360xi32, #tpu.memory_space<vmem>>
      %dma_wait3A_29 = arith.constant 0 : i32
      %dma_wait3A_30 = tpu.memref_slice %arg4[%run_scoped3A_16, %add3A, %dma_wait3A_29] : memref<2x32x5360xi32, #tpu.memory_space<hbm>> -> memref<1x1x5360xi32, #tpu.memory_space<hbm>>
      %dma_wait3A_31 = tpu.memref_squeeze %dma_wait3A_30 : memref<1x1x5360xi32, #tpu.memory_space<hbm>> -> memref<5360xi32, #tpu.memory_space<hbm>>
      %dma_wait3A_32 = arith.constant 0 : i32
      %dma_wait3A_33 = tpu.memref_slice %arg4[%run_scoped3A_16, %add3A, %dma_wait3A_32] : memref<2x32x5360xi32, #tpu.memory_space<hbm>> -> memref<1x1x5360xi32, #tpu.memory_space<hbm>>
      %dma_wait3A_34 = tpu.memref_squeeze %dma_wait3A_33 : memref<1x1x5360xi32, #tpu.memory_space<hbm>> -> memref<5360xi32, #tpu.memory_space<hbm>>
      %dma_wait3A_35 = arith.constant 0 : i32
      %dma_wait3A_36 = tpu.memref_slice %arg10[%dma_wait3A_35] : memref<5376xi32, #tpu.memory_space<vmem>> -> memref<5360xi32, #tpu.memory_space<vmem>>
      tpu.wait_dma2 semaphore(%run_scoped3A_18 : memref<!tpu.dma_semaphore, #tpu.memory_space<semaphore_mem>>) src(%dma_wait3A_36 : memref<5360xi32, #tpu.memory_space<vmem>>) dst(%dma_wait3A_34 : memref<5360xi32, #tpu.memory_space<hbm>>)
      tpu.yield
    }) : () -> ()
    %run_scoped3A_17 = arith.constant 1 : i32
    "tpu.region"() ({
      %run_scoped3A_18 = tpu.sem_alloc : memref<!tpu.dma_semaphore, #tpu.memory_space<semaphore_mem>>
      %dma_start3A = arith.constant 0 : i32
      %dma_start3A_19 = tpu.memref_slice %arg11[%dma_start3A] : memref<5376xi32, #tpu.memory_space<vmem>> -> memref<5360xi32, #tpu.memory_space<vmem>>
      %dma_start3A_20 = arith.constant 0 : i32
      %dma_start3A_21 = tpu.memref_slice %arg5[%run_scoped3A_17, %add3A, %dma_start3A_20] : memref<2x32x5360xi32, #tpu.memory_space<hbm>> -> memref<1x1x5360xi32, #tpu.memory_space<hbm>>
      %dma_start3A_22 = tpu.memref_squeeze %dma_start3A_21 : memref<1x1x5360xi32, #tpu.memory_space<hbm>> -> memref<5360xi32, #tpu.memory_space<hbm>>
      %dma_start3A_23 = arith.constant 0 : i32
      %dma_start3A_24 = tpu.memref_slice %arg5[%run_scoped3A_17, %add3A, %dma_start3A_23] : memref<2x32x5360xi32, #tpu.memory_space<hbm>> -> memref<1x1x5360xi32, #tpu.memory_space<hbm>>
      %dma_start3A_25 = tpu.memref_squeeze %dma_start3A_24 : memref<1x1x5360xi32, #tpu.memory_space<hbm>> -> memref<5360xi32, #tpu.memory_space<hbm>>
      %dma_start3A_26 = arith.constant 0 : i32
      %dma_start3A_27 = tpu.memref_slice %arg11[%dma_start3A_26] : memref<5376xi32, #tpu.memory_space<vmem>> -> memref<5360xi32, #tpu.memory_space<vmem>>
      tpu.enqueue_dma source(%dma_start3A_27 : memref<5360xi32, #tpu.memory_space<vmem>>) target(%dma_start3A_25 : memref<5360xi32, #tpu.memory_space<hbm>>) target_semaphore(%run_scoped3A_18 : memref<!tpu.dma_semaphore, #tpu.memory_space<semaphore_mem>>)
      %dma_wait3A = arith.constant 0 : i32
      %dma_wait3A_28 = tpu.memref_slice %arg11[%dma_wait3A] : memref<5376xi32, #tpu.memory_space<vmem>> -> memref<5360xi32, #tpu.memory_space<vmem>>
      %dma_wait3A_29 = arith.constant 0 : i32
      %dma_wait3A_30 = tpu.memref_slice %arg5[%run_scoped3A_17, %add3A, %dma_wait3A_29] : memref<2x32x5360xi32, #tpu.memory_space<hbm>> -> memref<1x1x5360xi32, #tpu.memory_space<hbm>>
      %dma_wait3A_31 = tpu.memref_squeeze %dma_wait3A_30 : memref<1x1x5360xi32, #tpu.memory_space<hbm>> -> memref<5360xi32, #tpu.memory_space<hbm>>
      %dma_wait3A_32 = arith.constant 0 : i32
      %dma_wait3A_33 = tpu.memref_slice %arg5[%run_scoped3A_17, %add3A, %dma_wait3A_32] : memref<2x32x5360xi32, #tpu.memory_space<hbm>> -> memref<1x1x5360xi32, #tpu.memory_space<hbm>>
      %dma_wait3A_34 = tpu.memref_squeeze %dma_wait3A_33 : memref<1x1x5360xi32, #tpu.memory_space<hbm>> -> memref<5360xi32, #tpu.memory_space<hbm>>
      %dma_wait3A_35 = arith.constant 0 : i32
      %dma_wait3A_36 = tpu.memref_slice %arg11[%dma_wait3A_35] : memref<5376xi32, #tpu.memory_space<vmem>> -> memref<5360xi32, #tpu.memory_space<vmem>>
      tpu.wait_dma2 semaphore(%run_scoped3A_18 : memref<!tpu.dma_semaphore, #tpu.memory_space<semaphore_mem>>) src(%dma_wait3A_36 : memref<5360xi32, #tpu.memory_space<vmem>>) dst(%dma_wait3A_34 : memref<5360xi32, #tpu.memory_space<hbm>>)
      tpu.yield
    }) : () -> ()
    return
  }
}

</mosaic_0001>

<sc_bundles>
// kernel: _part_pass_call.3.cloned.1.call-start
scs
__scs_entry_jumppad:
0x0: {  	(pc) =	sbr.rel $0x88, $3  }
0x1: {  	(tag) =	ssettag $0x0;
	lr =	simm.s32 $0x1  }
0x2: {  	[smem:$0x3F9F] =	sst lr;
	_ =	strace $0xD0000000  }
0x3: {  	_ = 	snop  }
0x4: {  	_ = 	snop  }
0x5: {  	_ = 	snop  }
0x6: {  	_ = 	snop  }
0x7: {  	_ = 	snop  }
__scs_overlays_trampoline_lowered:
0x8: {  	[smem:$0x3FAE] =	sst s0  }
0x9: {  	[smem:$0x3FAF] =	sst s1  }
0xa: {  	[smem:$0x3FB0] =	sst s2  }
0xb: {  	[smem:$0x3FB1] =	sst s3  }
0xc: {  	[smem:$0x3FB2] =	sst s4  }
0xd: {  	[smem:$0x3FB3] =	sst s5  }
0xe: {  	[smem:$0x3FB4] =	sst s6  }
0xf: {  	[smem:$0x3FB5] =	sst s7  }
0x10: {  	[smem:$0x3FB6] =	sst s8  }
0x11: {  	[smem:$0x3FB7] =	sst s9;
	s0 =	simm.s32 @!p0 $0x0  }
0x12: {  	s1 =	sld [smem:$0x3F9D];
	s0 =	simm.s32 @p0 $0x1  }
0x13: {  	[smem:$0x3FB8] =	sst s0;
	s0 =	simm.s32 @!p1 $0x0  }
0x14: {  	s2 =	sld [smem:$0x3F9C];
	s0 =	simm.s32 @p1 $0x1  }
0x15: {  	[smem:$0x3FB9] =	sst s0;
	s0 =	simm.s32 @!p2 $0x0  }
0x16: {  	s3 =	sld [smem:$0x3FDB];
	s0 =	simm.s32 @p2 $0x1  }
0x17: {  	s4 =	simm.s32 $0x1BF5;
	[smem:$0x3FBB] =	sst s0  }
0x18: {  	s0 =	sld [smem:$0x3F9E];
	_ =	swait.ge [sflag:s4], $0x0  }
0x19: {  	s7 =	sld [smem:$0x3F9F]  }
0x1a: {  	s8 =	sadd.s32 $0xFFFFE003, lr  }
0x1b: {  	s9 =	sadd.s32 $0xFFFFFEF7, lr;
	s5 =	simm.s32 $0xFFFFFFFF;
	p2 =	slt.u32 s8, $0xFFFFF086  }
0x1c: {  	p1 =	slt.u32 s9, $0xF7A;
	s5 =	simm.s32 @!p2 $0x0  }
0x1d: {  	s5 =	simm.s32 @p1 $0x1;
	p0 =	seq.s32 s7, s2  }
0x1e: {  	s7 =	smul.u32 @!p0 $0xF7A, s2;
	p2 =	seq.s32 @!p0 s5, $0x0  }
0x1f: {  	s9 =	smul.u32 $0xF7A, s1;
	s8 =	simm.s32 @!p0 $0x1BF5;
	p2 =	por !p2, p0  }
0x20: {  	[sflag:s8] =	ssyncset.s32 @!p0 $0xFFFFF086;
	s6 =	sadd.s32 @!p0 s3, s7;
	s7 =	simm.s32 @!p0 $0x108  }
0x21: {  	s3 =	sadd.s32 s3, s9;
	s6 =	sadd.s32 @!p0 $0x88, s6;
	s7 =	simm.s32 @p2 $0x1082  }
0x22: {  	[simem:s7], [sflag:s8] =	dma.local @!p0 [hbm:s6], $0xF7A  }
0x23: {  	s9 =	sor.u32 $0xD0000000, s2;
	s6 =	simm.s32 $0x108;
	_ =	swait.ge @!p0 [sflag:s8], $0x0  }
0x24: {  	s3 =	sadd.s32 $0x88, s3;
	s6 =	simm.s32 @!p1 $0x1082;
	[sflag:s4] =	ssyncset.s32 $0xFFFFF086  }
0x25: {  	[simem:s6], [sflag:s4] =	dma.local [hbm:s3], $0xF7A  }
0x26: {  	[smem:$0x3F9F] =	sst s1;
	(tag) =	ssettag s2;
	_ =	strace s9  }
0x27: {  	s1 =	sld [smem:$0x3FAF]  }
0x28: {  	s2 =	sld [smem:$0x3FB0]  }
0x29: {  	s4 =	sld [smem:$0x3FB2]  }
0x2a: {  	p0 =	seq.s32 s5, $0x0;
	s5 =	sld [smem:$0x3FB3]  }
0x2b: {  	s6 =	sld [smem:$0x3FB4]  }
0x2c: {  	s7 =	sld [smem:$0x3FB5]  }
0x2d: {  	s3 =	simm.s32 $0x108;
	s8 =	sld [smem:$0x3FB6]  }
0x2e: {  	s3 =	simm.s32 @!p0 $0x1082;
	s9 =	sld [smem:$0x3FB7]  }
0x2f: {  	lr =	sadd.s32 s0, s3;
	s0 =	sld [smem:$0x3FAE]  }
0x30: {  	s3 =	sld [smem:$0x3FB1]  }
0x31: {  	[smem:$0x3FBA] =	sst s10  }
0x32: {  	s10 =	sld [smem:$0x3FB8];
	_ =	sdelay $0x3  }
0x33: {  	p0 =	seq.s32 s10, $0x1;
	s10 =	sld [smem:$0x3FBA];
	_ =	sdelay $0x3  }
0x34: {  	[smem:$0x3FBA] =	sst s10  }
0x35: {  	s10 =	sld [smem:$0x3FB9];
	_ =	sdelay $0x3  }
0x36: {  	p1 =	seq.s32 s10, $0x1;
	s10 =	sld [smem:$0x3FBA];
	_ =	sdelay $0x3  }
0x37: {  	[smem:$0x3FBA] =	sst s10  }
0x38: {  	s10 =	sld [smem:$0x3FBB]  }
0x39: {  	_ = 	snop;
	(pc) =	sbr.ind lr, $3  }
0x3a: {  	_ = 	snop  }
0x3b: {  	_ = 	snop  }
0x3c: {  	p2 =	seq.s32 s10, $0x1;
	s10 =	sld [smem:$0x3FBA]  }
0x3d: {  	_ =	shalt  }
0x3e: {  	_ =	shalt  }
0x3f: {  	_ =	shalt  }
0x40: {  	_ =	shalt  }
0x41: {  	_ =	shalt  }
0x42: {  	_ =	shalt  }
0x43: {  	_ =	shalt  }
0x44: {  	_ =	shalt  }
0x45: {  	_ =	shalt  }
0x46: {  	_ =	shalt  }
0x47: {  	_ =	shalt  }
0x48: {  	_ =	shalt  }
0x49: {  	_ =	shalt  }
0x4a: {  	_ =	shalt  }
0x4b: {  	_ =	shalt  }
0x4c: {  	_ =	shalt  }
0x4d: {  	_ =	shalt  }
0x4e: {  	_ =	shalt  }
0x4f: {  	_ =	shalt  }
0x50: {  	_ =	shalt  }
0x51: {  	_ =	shalt  }
0x52: {  	_ =	shalt  }
0x53: {  	_ =	shalt  }
0x54: {  	_ =	shalt  }
0x55: {  	_ =	shalt  }
0x56: {  	_ =	shalt  }
0x57: {  	_ =	shalt  }
0x58: {  	_ =	shalt  }
0x59: {  	_ =	shalt  }
0x5a: {  	_ =	shalt  }
0x5b: {  	_ =	shalt  }
0x5c: {  	_ =	shalt  }
0x5d: {  	_ =	shalt  }
0x5e: {  	_ =	shalt  }
0x5f: {  	_ =	shalt  }
0x60: {  	_ =	shalt  }
0x61: {  	_ =	shalt  }
0x62: {  	_ =	shalt  }
0x63: {  	_ =	shalt  }
0x64: {  	_ =	shalt  }
0x65: {  	_ =	shalt  }
0x66: {  	_ =	shalt  }
0x67: {  	_ =	shalt  }
0x68: {  	_ =	shalt  }
0x69: {  	_ =	shalt  }
0x6a: {  	_ =	shalt  }
0x6b: {  	_ =	shalt  }
0x6c: {  	_ =	shalt  }
0x6d: {  	_ =	shalt  }
0x6e: {  	_ =	shalt  }
0x6f: {  	_ =	shalt  }
0x70: {  	_ =	shalt  }
0x71: {  	_ =	shalt  }
0x72: {  	_ =	shalt  }
0x73: {  	_ =	shalt  }
0x74: {  	_ =	shalt  }
0x75: {  	_ =	shalt  }
0x76: {  	_ =	shalt  }
0x77: {  	_ =	shalt  }
0x78: {  	_ =	shalt  }
0x79: {  	_ =	shalt  }
0x7a: {  	_ =	shalt  }
0x7b: {  	_ =	shalt  }
0x7c: {  	_ =	shalt  }
0x7d: {  	_ =	shalt  }
0x7e: {  	_ =	shalt  }
0x7f: {  	_ =	shalt  }
0x80: {  	_ =	shalt  }
0x81: {  	_ =	shalt  }
0x82: {  	_ =	shalt  }
0x83: {  	_ =	shalt  }
0x84: {  	_ =	shalt  }
0x85: {  	_ =	shalt  }
0x86: {  	_ =	shalt  }
0x87: {  	_ =	shalt  }
.Lfunc_end0:
.L_simem_size_0:
called_computation_lowered:
.L_overlay_start_0:
0x88: {  	s2 =	sld [smem:$0x3FD9]  }
0x89: {  	s3 =	sld [smem:$0x3FFE];
	_ =	sdelay $0x1  }
0x8a: {  	s1 =	srdreg.scid  }
0x8b: {  	s0 =	sand.u32 $0x1, s1  }
0x8c: {  	s14 =	sshll.u32 s0, $0xA;
	s2 =	sadd.s32 s3, s2  }
0x8d: {  	s2 =	sadd.s32 s2, s14  }
0x8e: {  	[smem:$0x3FC6] =	sst s2  }
0x8f: {  	_ = 	snop  }
0x90: {  	s2 =	sld [smem:$0x3FD0];
	_ =	sdelay $0x2  }
0x91: {  	s15 =	simm.s32 $0xA;
	s4 =	simm.s32 $0x10  }
0x92: {  	[smem:s4], [sflag:s15] =	dma.local [hbm:s2], $0x1  }
0x93: {  	_ =	swait.eq [sflag:s15], $0x1  }
0x94: {  	[sflag:s15] =	ssyncset.done $0x0  }
0x95: {  	s16 =	sld [smem:$0x10];
	[sflag:s15] =	ssyncadd.s32 $0xFFFFFFFF  }
0x96: {  	s17 =	sld [smem:$0x11];
	(tm) =	ssettm $0x1  }
0x97: {  	s18 =	sld [smem:$0x3FFB];
	_ =	sdelay $0x3  }
0x98: {  	_ =	strace s18  }
0x99: {  	s4 =	sld [smem:$0x3FFC];
	_ =	sdelay $0x3  }
0x9a: {  	_ =	strace s4  }
0x9b: {  	s4 =	sld [smem:$0x3FFD];
	_ =	sdelay $0x3  }
0x9c: {  	_ =	strace s4  }
0x9d: {  	_ =	strace $0x8FFFFFFF  }
0x9e: {  	s19 =	sld [smem:$0x3FDB];
	_ =	sdelay $0x1  }
0x9f: {  	s5 =	simm.s32 $_scs_section_size  }
0xa0: {  	s6 =	simm.s32 $_size__tile_overlayer_lowered;
	s7 =	simm.s32 $_tile_overlayer_lowered  }
0xa1: {  	s22 =	simm.s32 $0x1BFF;
	s21 =	sshll.u32 s7, $0x1;
	s4 =	sadd.s32 s5, s19  }
0xa2: {  	s8 =	simm.s32 $0x0;
	s20 =	sshll.u32 s6, $0x1;
	s6 =	sadd.s32 s21, s4  }
0xa3: {  	[timem:s8], [sflag:s22] =	dma.local [hbm:s6], s20  }
0xa4: {  	_ =	swait.ge [sflag:s22], s20  }
0xa5: {  	s5 =	ssub.s32 $0x0, s20;
	[sflag:s22] =	ssyncset.done $0x0  }
0xa6: {  	[sflag:s22] =	ssyncadd.s32 s5;
	_ =	sdelay $0x1  }
0xa7: {  	s23 =	simm.s32 $0x1B8B  }
0xa8: {  	_ =	swait.ge [sflag:s23], $0x1  }
0xa9: {  	[sflag:s23] =	ssyncset.done $0x0  }
0xaa: {  	s25 =	simm.s32 $0x1B8E;
	s24 =	sld [smem:$0x3FFE];
	[sflag:s23] =	ssyncadd.s32 $0xFFFFFFFF  }
0xab: {  	s26 =	simm.s32 $execute0_lowered;
	[smem:$0x3FD2] =	sst s25  }
0xac: {  	s6 =	sshll.u32 s26, $0x1;
	_ =	strace $0x80000046;
	[dreg:$0x1] =	wrdreg $0xFFFFFFFF  }
0xad: {  	s28 =	simm.s32 $_size_execute0_lowered;
	s4 =	sadd.s32 s4, s6;
	[dreg:$0x0] =	wrdreg $0x0  }
0xae: {  	s6 =	sshll.u32 s28, $0x1;
	[dreg:$0x2] =	wrdreg s4  }
0xaf: {  	[dreg:$0x3] =	wrdreg s6  }
0xb0: {  	[dreg:$0x4] =	wrdreg $0xC0  }
0xb1: {  	_ =	task [dreg:s8], $0x5FFFF  }
0xb2: {  	[dreg:$0x1] =	wrdreg $0xFFFFFFFF  }
0xb3: {  	[dreg:$0x0] =	wrdreg $0x60  }
0xb4: {  	[dreg:$0x2] =	wrdreg s17  }
0xb5: {  	[dreg:$0x3] =	wrdreg s24  }
0xb6: {  	[dreg:$0x4] =	wrdreg s16  }
0xb7: {  	[dreg:$0x5] =	wrdreg $0x9  }
0xb8: {  	_ =	task.clear_ibuf [dreg:s8], $0x6FFFF;
	_ =	strace $0x90000046  }
0xb9: {  	s29 =	simm.s32 $0x9;
	_ =	strace $0x80000048  }
0xba: {  	_ =	swait.ge [sflag:s29], $0x1  }
0xbb: {  	[sflag:s29] =	ssyncadd.s32 $0xFFFFFFFF  }
0xbc: {  	_ =	strace $0x90000048  }
0xbd: {  	_ =	sfence  }
0xbe: {  	s30 =	sld [smem:$0x0];
	_ =	sdelay $0x2  }
0xbf: {  	s31 =	sshll.u32 s1, $0xD;
	s1 =	sshrl.u32 s1, $0x2  }
0xc0: {  	s3 =	sand.u32 $0x4000, s31;
	s1 =	sadd.s32 s1, s30  }
0xc1: {  	s0 =	sor.u32 s3, s0;
	s1 =	sshll.u32 s1, $0x11  }
0xc2: {  	s0 =	sor.u32 s1, s0  }
0xc3: {  	s0 =	sadd.s32 $0x8F2B, s0  }
0xc4: {  	[sflag:s0] =	ssyncadd.remote.s32 $0x1  }
0xc5: {  	_ =	sfence.sel $0xFFFF  }
0xc6: {  	[dreg:$0x0] =	wrdreg $0xFFFFFFFF;
	(pc) =	sbr.abs _section_cstart, $3  }
0xc7: {  	[dreg:$0x1] =	wrdreg $0xFFFFFFFF  }
0xc8: {  	_ =	task.clear_ibuf [dreg:s8], $0x2FFFF;
	_ =	strace $0x9FFFFFFF  }
0xc9: {  	(tm) =	ssettm $0x7FFFFFFF  }
tec
execute0_lowered:
.L_overlay_start_1:
0x0: {  	(tag) =	ssettag $0x1  }
0x1: {  	s3 =	rddreg [dreg:$0x0]  }
0x2: {  	s1 =	srdreg.scid;
	s4 =	rddreg [dreg:$0x1]  }
0x3: {  	s0 =	stileid.u32;
	s7 =	rddreg [dreg:$0x2]  }
0x4: {  	s2 =	simm.s32 $0x0;
	s12 =	simm.s32 $0x4E20;
	s13 =	simm.s32 $0x6320  }
0x5: {  	s14 =	simm.s32 $0x7820;
	s5 =	sand.u32 $0x1, s1;
	s30 =	sshll.u32 s0, $0x1  }
0x6: {  	s15 =	simm.s32 $0x8D20;
	s16 =	simm.s32 $0x0;
	s6 =	sor.u32 s5, s30  }
0x7: {  	s1 =	rddreg [dreg:$0x3];
	s5 =	ssub.s32 $0x2, s5;
	s8 =	smul.u32 $0x4E2, s6  }
0x8: {  	[smem:$0x7FF] =	sst s2;
	s6 =	smul.u32 $0x14F0, s6;
	s10 =	sshrl.u32 s5, $0x1  }
0x9: {  	s11 =	sadd.s32 $0xAA00, s4;
	_ =	strace $0x80000047;
	s10 =	ssub.s32 s5, s10  }
0xa: {  	s9 =	sadd.s32 s8, s4;
	s6 =	sshrl.u32 s6, $0x3;
	s3 =	sadd.s32 s3, s8  }
0xb: {  	s4 =	sadd.s32 $0xC00, s9;
	s31 =	sadd.s32 $0x53C0, s6;
	s5 =	sadd.s32 s7, s6  }
0xc: {  	s6 =	sadd.s32 s11, s6;
	s9 =	smax.u32 s10, $0x1;
	s10 =	simm.s32 $0x1  }
0xd: {  	v0 =	vlaneseq.u32;
	v1 =	vimm.s32 $0x0;
	s7 =	sadd.s32 s7, s31;
	s8 =	sadd.s32 s11, s31;
	s11 =	simm.s32 $0x2710  }
.LBB2_1:
0xe: {  	s17 =	smul.u32 $0x4EC5, s2;
	_ =	sdelay $0x1  }
0xf: {  	s17 =	sshrl.u32 s17, $0x15  }
0x10: {  	s17 =	smul.u32 $0x68, s17;
	_ =	sdelay $0x1  }
0x11: {  	s19 =	simm.s32 $0x10;
	s17 =	ssub.s32 $0x0, s17  }
0x12: {  	v2 =	vor.u32 s2, v0;
	s18 =	smul.u32 $0x4EC5, s19;
	s17 =	sadd.s32 $0x1388, s17  }
0x13: {  	[tilespmem:s12+$0x0] =	vst v2;
	s17 =	sand.u32 $0xFFFF, s17  }
0x14: {  	[tilespmem:s14+$0x0] =	vst v2;
	s18 =	sshrl.u32 s18, $0x15;
	v3 =	vadd.s32 s17, v0  }
0x15: {  	s31 =	smul.u32 $0x68, s18;
	[tilespmem:s13+$0x0] =	vst v3  }
0x16: {  	s20 =	simm.s32 $0x4E30;
	s21 =	simm.s32 $0x7820;
	v2 =	vor.u32 s19, v0;
	s19 =	simm.s32 $0x6320;
	[tilespmem:s15+$0x0] =	vst v3  }
0x17: {  	s18 =	simm.s32 $0x20;
	s22 =	ssub.s32 $0x10, s31;
	s17 =	simm.s32 $0x8D20;
	[tilespmem:s20+$0x0] =	vst v2  }
.LBB2_2:
0x18: {  	s23 =	smul.u32 $0x4EC5, s18;
	s22 =	sadd.s32 $0x1388, s22  }
0x19: {  	s21 =	sadd.s32 $0x10, s21;
	s24 =	smov.u32 s18;
	p0 =	sne.s32 s18, $0x14F0  }
.Ltmp0:
0x1a: {  	s18 =	sadd.s32 $0x10, s18;
	s22 =	sand.u32 $0xFFFF, s22;
	(pc) =	sbr.rel @p0 .LBB2_2-.Ltmp0, $4  }
0x1b: {  	s19 =	sadd.s32 $0x10, s19;
	s23 =	sshrl.u32 s23, $0x15;
	v3 =	vadd.s32 s22, v0;
	[tilespmem:s21+$0x0] =	vst v2  }
0x1c: {  	s17 =	sadd.s32 $0x10, s17;
	s22 =	smul.u32 $0x68, s23;
	[tilespmem:s19+$0x0] =	vst v3  }
0x1d: {  	s20 =	sadd.s32 $0x10, s20;
	v2 =	vor.u32 s24, v0;
	[tilespmem:s17+$0x0] =	vst v3  }
0x1e: {  	s22 =	ssub.s32 s24, s22;
	[tilespmem:s20+$0x0] =	vst v2  }
0x1f: {  	s18 =	sadd.s32 $0x1388, s22  }
0x20: {  	s20 =	sadd.s32 $0x10, s21;
	s18 =	sand.u32 $0xFFFF, s18  }
0x21: {  	s26 =	sadd.s32 $0x10, s19;
	[tilespmem:s20+$0x0] =	vst v2;
	v3 =	vadd.s32 s18, v0  }
0x22: {  	s17 =	sadd.s32 $0x10, s17;
	[tilespmem:s26+$0x0] =	vst v3  }
0x23: {  	s28 =	simm.s32 $0x0;
	[tilespmem:s17+$0x0] =	vst v3  }
0x24: {  	[tilespmem:s28], [sflag:$0x1] =	stream.linear.gather [hbm4b:s3+s28], $0x2710, $0x38;
	[tilespmem:$0xA220] =	vst v63  }
0x25: {  	_ =	swait.ge [sflag:s10], $0x2710  }
0x26: {  	[sflag:s10] =	ssyncset.done $0x0  }
0x27: {  	[sflag:s10] =	ssyncadd.s32 $0xFFFFD8F0  }
0x28: {  	[tilespmem:s11], [sflag:$0x1] =	stream.linear.gather [hbm4b:s4+s28], $0x2710, $0x38;
	[tilespmem:$0xA220] =	vst v63  }
0x29: {  	_ =	swait.ge [sflag:s10], $0x2710  }
0x2a: {  	[sflag:s10] =	ssyncset.done $0x0  }
0x2b: {  	s29 =	simm.s32 $0x0;
	[sflag:s10] =	ssyncadd.s32 $0xFFFFD8F0  }
0x2c: {  	v2 =	vld [tilespmem:s29+$0x2710];
	_ =	sdelay $0x4  }
0x2d: {  	vm0 =	vle.s32 v2, $0x1387  }
0x2e: {  	v3 =	vsel vm0, $0x1, v1  }
0x2f: {  	(xrf0) =	vadd.scan.msk.s32 $0xffff, v3;
	_ =	sdelay $0x2  }
0x30: {  	v3 =	vld [tilespmem:s29+$0x0];
	_ =	sdelay $0x2  }
0x31: {  	v4, _, _ =	vpop (xrf0)  }
0x32: {  	vm1 =	vgt.s32 v2, $0x1387;
	(v2sf) =	vpush v4, $0xF;
	v4 =	vadd.s32 $0xFFFFEC78, v2  }
0x33: {  	[tilespmem:s28+$0x4E20] =	vst.msk vm0, v3;
	v2 =	vsel vm1, v4, v2  }
0x34: {  	[tilespmem:s28+$0x6320] =	vst.msk vm0, v2  }
0x35: {  	[tilespmem:s28+$0x7820] =	vst.msk vm1, v3  }
0x36: {  	s30 =	simm.s32 $0x10;
	[tilespmem:s28+$0x8D20] =	vst.msk vm1, v2  }
0x37: {  	v2 =	vld [tilespmem:s30+$0x2710];
	_ =	sdelay $0x4  }
0x38: {  	vm0 =	vle.s32 v2, $0x1387  }
0x39: {  	v3 =	vsel vm0, $0x1, v1  }
0x3a: {  	(xrf0) =	vadd.scan.msk.s32 $0xffff, v3;
	_ =	sdelay $0x2  }
0x3b: {  	vm1 =	vgt.s32 v2, $0x1387;
	v3 =	vadd.s32 $0xFFFFEC78, v2;
	s31 =	spop (v2sf)  }
0x3c: {  	v2 =	vsel vm1, v3, v2;
	v3 =	vld [tilespmem:s30+$0x0];
	s17 =	sadd.s32 $0x0, s31;
	s18 =	ssub.s32 $0x0, s31  }
0x3d: {  	p0 =	slt.s32 s17, $0x14F0;
	s18 =	sadd.s32 $0x10, s18  }
0x3e: {  	s19 =	simm.s32 $0x80;
	v4, _, _ =	vpop (xrf0);
	s17 =	simm.s32 @!p0 $0x14F0;
	p1 =	slt.s32 s18, $0x14F0  }
.LBB2_4:
0x3f: {  	p0 =	sne.s32 s19, $0x9C00  }
0x40: {  	(v2sf) =	vpush v4, $0xF;
	s18 =	simm.s32 @!p1 $0x14F0;
	s20 =	smov.u32 s19;
	s19 =	sadd.s32 $0x40, s19  }
0x41: {  	[tilespmem:s17+$0x4E20] =	vst.msk vm0, v3  }
0x42: {  	[tilespmem:s17+$0x6320] =	vst.msk vm0, v2  }
0x43: {  	[tilespmem:s18+$0x7820] =	vst.msk vm1, v3  }
0x44: {  	s20 =	sshra.s32 s20, $0x2;
	[tilespmem:s18+$0x8D20] =	vst.msk vm1, v2  }
0x45: {  	v2 =	vld [tilespmem:s20+$0x2710];
	_ =	sdelay $0x4  }
0x46: {  	vm0 =	vle.s32 v2, $0x1387;
	vm1 =	vgt.s32 v2, $0x1387;
	v3 =	vadd.s32 $0xFFFFEC78, v2  }
0x47: {  	v2 =	vsel vm1, v3, v2;
	v3 =	vsel vm0, $0x1, v1  }
0x48: {  	(xrf0) =	vadd.scan.msk.s32 $0xffff, v3;
	_ =	sdelay $0x1  }
.Ltmp1:
0x49: {  	(pc) =	sbr.rel @p0 .LBB2_4-.Ltmp1, $4  }
0x4a: {  	v3 =	vld [tilespmem:s20+$0x0];
	s20 =	spop (v2sf)  }
0x4b: {  	s17 =	sadd.s32 s17, s20;
	s18 =	ssub.s32 s18, s20  }
0x4c: {  	p1 =	slt.s32 s17, $0x14F0;
	s18 =	sadd.s32 $0x10, s18  }
0x4d: {  	v4, _, _ =	vpop (xrf0);
	s17 =	simm.s32 @!p1 $0x14F0;
	p1 =	slt.s32 s18, $0x14F0  }
0x4e: {  	(v2sf) =	vpush v4, $0xF;
	_ =	sdelay $0x9  }
0x4f: {  	[tilespmem:s17+$0x4E20] =	vst.msk vm0, v3  }
0x50: {  	s18 =	simm.s32 @!p1 $0x14F0;
	[tilespmem:s17+$0x6320] =	vst.msk vm0, v2  }
0x51: {  	[tilespmem:s18+$0x7820] =	vst.msk vm1, v3  }
0x52: {  	[tilespmem:s18+$0x8D20] =	vst.msk vm1, v2  }
0x53: {  	[hbm4b:s5+s2] =	stream.linear.scatter [tilespmem:s12], [sflag:$0x1], $0x14F0, $0x38;
	[tilespmem:$0xA220] =	vst v63  }
0x54: {  	s31 =	spop (v2sf)  }
0x55: {  	_ =	swait.ge [sflag:s10], $0x14F0  }
0x56: {  	[sflag:s10] =	ssyncset.done $0x0  }
0x57: {  	[sflag:s10] =	ssyncadd.s32 $0xFFFFEB10  }
0x58: {  	[hbm4b:s6+s2] =	stream.linear.scatter [tilespmem:s13], [sflag:$0x1], $0x14F0, $0x38;
	[tilespmem:$0xA220] =	vst v63  }
0x59: {  	_ =	swait.ge [sflag:s10], $0x14F0  }
0x5a: {  	[sflag:s10] =	ssyncset.done $0x0  }
0x5b: {  	[sflag:s10] =	ssyncadd.s32 $0xFFFFEB10  }
0x5c: {  	[hbm4b:s7+s2] =	stream.linear.scatter [tilespmem:s14], [sflag:$0x1], $0x14F0, $0x38;
	[tilespmem:$0xA220] =	vst v63  }
0x5d: {  	s16 =	sadd.s32 $0x1, s16;
	_ =	swait.ge [sflag:s10], $0x14F0  }
0x5e: {  	p0 =	sne.s32 s16, s9;
	[sflag:s10] =	ssyncset.done $0x0  }
.Ltmp2:
0x5f: {  	[sflag:s10] =	ssyncadd.s32 $0xFFFFEB10;
	(pc) =	sbr.rel @p0 .LBB2_1-.Ltmp2, $4  }
0x60: {  	[hbm4b:s8+s2] =	stream.linear.scatter [tilespmem:s15], [sflag:$0x1], $0x14F0, $0x38;
	[tilespmem:$0xA220] =	vst v63  }
0x61: {  	_ =	swait.ge [sflag:s10], $0x14F0  }
0x62: {  	[sflag:s10] =	ssyncset.done $0x0  }
0x63: {  	[sflag:s10] =	ssyncadd.s32 $0xFFFFEB10  }
0x64: {  	_ =	sfence.sel $0x180000  }
0x65: {  	[bflag:$0x0] =	sbarrier.arrive $0xFFFF  }
0x66: {  	p0 =	sne.s32 s0, $0x0;
	_ =	strace $0x90000047  }
0x67: {  	s0 =	sadd.s32 @!p0 $0x100000, s1;
	[bflag:$0x2] =	sbarrier.arrive $0xFFFF  }
0x68: {  	[sflag:s0] =	ssyncadd.tile.s32 @!p0 $0x1;
	_ =	shalt  }
.Lfunc_end2:
_tile_overlayer_lowered:
.L_overlay_start_2:
0x69: {  	(tag) =	ssettag $0x2  }
0x6a: {  	s0 =	rddreg [dreg:$0x0];
	s2 =	stileid.u32  }
0x6b: {  	s1 =	rddreg [dreg:$0x1];
	p0 =	sne.s32 s2, $0x0  }
0x6c: {  	s3 =	rddreg [dreg:$0x2];
	[bflag:$0x3] =	sbarrier.arrive $0xFFFF;
	s2 =	simm.s32 @!p0 $0x1C01  }
0x6d: {  	[timem:s3], [sflag:s2] =	dma.local @!p0 [hbm:s0], s1  }
0x6e: {  	s0 =	simm.s32 @!p0 $0x1  }
0x6f: {  	_ =	swait.ge @!p0 [sflag:s0], s1  }
0x70: {  	s1 =	ssub.s32 @!p0 $0x0, s1;
	[sflag:s0] =	ssyncset.done @!p0 $0x0  }
0x71: {  	[sflag:s0] =	ssyncadd.s32 @!p0 s1  }
0x72: {  	[bflag:$0x3] =	sbarrier.arrive $0xFFFF  }
0x73: {  	_ =	shalt  }

</sc_bundles>
